<compile_context>
chip_gen: v7x
topology: tpu7x:2x2x1
jax: 0.10.2.dev20260603
libtpu: 0.0.44.dev20260713+nightly
codegen_flags: <defaults>
</compile_context>

<pallas_src>
import math

import jax
import jax.numpy as jnp
from jax import lax
from jax.experimental import pallas as pl
from jax.experimental.pallas import tpu as pltpu
from jax.experimental.pallas import tpu_sc as plsc

_NUM_USERS = 100000
_POOL_SIZE = 200
_NUM_NEG = 20
_BATCH = 16384

_NC = 2
_NS = 16
_L = 16
_NW = _NC * _NS
_TOT = _BATCH * _NUM_NEG
_EPW = _TOT // _NW
_CHUNK = 128
_NCH = _EPW // _CHUNK
_VPC = _CHUNK // _L

_SC_PARAMS = pltpu.CompilerParams(
    use_tc_tiling_on_sc=False, needs_layout_passes=False)


def _idx_body(user_hbm, idxk_hbm, flat_hbm, user_v, idx_v, flat_v):
    wid = lax.axis_index("s") * _NC + lax.axis_index("c")
    ebase = wid * _EPW

    pltpu.sync_copy(user_hbm, user_v)
    pltpu.sync_copy(idxk_hbm.at[pl.ds(ebase, _EPW)], idx_v)

    iota = lax.iota(jnp.int32, _L)

    def chunk_body(c, carry):
        for e in range(_VPC):
            o = c * _CHUNK + e * _L
            b_loc = (ebase + o + iota) & (_BATCH - 1)
            users = plsc.load_gather(user_v, [b_loc])
            col = idx_v[pl.ds(o, _L)]
            flat_v[pl.ds(o, _L)] = col * _NUM_USERS + users
        return carry

    lax.fori_loop(0, _NCH, chunk_body, 0)

    pltpu.sync_copy(flat_v, flat_hbm.at[pl.ds(ebase, _EPW)])


def _gather_body(pool_hbm, flat_hbm, out_hbm, flat_v, out_v, sem):
    wid = lax.axis_index("s") * _NC + lax.axis_index("c")
    ebase = wid * _EPW

    pltpu.sync_copy(flat_hbm.at[pl.ds(ebase, _EPW)], flat_v)

    def chunk_body(c, carry):
        pltpu.async_copy(
            pool_hbm.at[flat_v.at[pl.ds(c * _CHUNK, _CHUNK)]],
            out_v.at[pl.ds(c * _CHUNK, _CHUNK)],
            sem,
        )
        return carry

    lax.fori_loop(0, _NCH, chunk_body, 0)

    pltpu.make_async_copy(pool_hbm.at[pl.ds(0, _EPW)], out_v, sem).wait()

    pltpu.sync_copy(out_v, out_hbm.at[pl.ds(ebase, _EPW)])


def kernel(user_id, pool, idx_k):
    mesh = plsc.VectorSubcoreMesh(core_axis_name="c", subcore_axis_name="s")
    idx_kfn = pl.kernel(
        _idx_body,
        mesh=mesh,
        compiler_params=_SC_PARAMS,
        out_type=jax.ShapeDtypeStruct((_TOT,), jnp.int32),
        scratch_types=[
            pltpu.VMEM((_BATCH,), jnp.int32),
            pltpu.VMEM((_EPW,), jnp.int32),
            pltpu.VMEM((_EPW,), jnp.int32),
        ],
    )
    gather_kfn = pl.kernel(
        _gather_body,
        mesh=mesh,
        compiler_params=_SC_PARAMS,
        out_type=jax.ShapeDtypeStruct((_TOT,), jnp.int32),
        scratch_types=[
            pltpu.VMEM((_EPW,), jnp.int32),
            pltpu.VMEM((_EPW,), jnp.int32),
            pltpu.SemaphoreType.DMA,
        ],
    )
    pool_lin_t = pool.T.reshape(-1)
    idxk_lin_t = idx_k.T.reshape(-1)
    flat_idx = idx_kfn(user_id, idxk_lin_t)
    neg_flat_t = gather_kfn(pool_lin_t, flat_idx)
    neg_items = neg_flat_t.reshape(_NUM_NEG, _BATCH).T
    log_q = jnp.full((_BATCH, _NUM_NEG), -math.log(float(_POOL_SIZE)),
                     dtype=jnp.float32)
    return neg_items, log_q

# --- scband reference (transcript-rebuilt; emitter-appended) ---
"""Pipeline reference for scband-two-pass-19292993094099 (READ-ONLY COPY).

The authoritative reference and input builder live on the scoring server;
editing this copy changes nothing except your own understanding.
"""

import jax, jax.numpy as jnp
import numpy as np

NUM_USERS = 100000
NUM_ITEMS = 1000000
POOL_SIZE = 200
NUM_NEG = 20
BATCH = 16384


def setup_inputs(seed: int = 0) -> dict:
    key = jax.random.key(seed)
    k1, k2, k3 = jax.random.split(key, 3)
    # forward arg
    user_id = jax.random.randint(k1, (BATCH,), 0, NUM_USERS, dtype=jnp.int64 if jax.config.jax_enable_x64 else jnp.int32).astype(jnp.int32)
    # persistent pool buffer (in torch it is filled by update_pool; randomize so the
    # gather is non-trivial instead of all-zeros)
    pool = jax.random.randint(k2, (NUM_USERS, POOL_SIZE), 0, NUM_ITEMS, dtype=jnp.int32)
    # the random per-call gather indices idx_k = randint(0, pool_size, (B, num_neg));
    # materialized here with a fixed key so reference() is deterministic
    idx_k = jax.random.randint(k3, (BATCH, NUM_NEG), 0, POOL_SIZE, dtype=jnp.int32)
    return {"user_id": user_id, "pool": pool, "idx_k": idx_k}


def reference(user_id, pool, idx_k):
    # candidates = self.pool[user_id]
    candidates = jnp.take(pool, user_id, axis=0)           # [B, POOL_SIZE] gather
    # torch.gather(candidates, 1, idx_k)
    neg_items = jnp.take_along_axis(candidates, idx_k, axis=1)  # [B, NUM_NEG]
    # -log(pool_size * ones(B, num_neg))
    log_q = -jnp.log(POOL_SIZE * jnp.ones((user_id.shape[0], NUM_NEG), dtype=jnp.float32))
    return neg_items, log_q

if __name__ == "__main__":
    import jax
    _d = setup_inputs()
    print(jax.jit(kernel)(*tuple(_d.values())))

</pallas_src>

<mosaic_0001>
#map = affine_map<(d0, d1) -> (0)>
module attributes {stable_mosaic.version = 14 : i64} {
  func.func @_idx_body(%arg0: i32, %arg1: i32, %arg2: memref<16384xi32, #tpu.memory_space<hbm>>, %arg3: memref<327680xi32, #tpu.memory_space<hbm>>, %arg4: memref<327680xi32, #tpu.memory_space<hbm>>, %arg5: memref<16384xi32, #tpu.memory_space<vmem>>, %arg6: memref<10240xi32, #tpu.memory_space<vmem>>, %arg7: memref<10240xi32, #tpu.memory_space<vmem>>) attributes {dimension_semantics = [#tpu.dimension_semantics<core_parallel>, #tpu.dimension_semantics<subcore_parallel>], iteration_bounds = array<i64: 2, 16>, scalar_prefetch = 0 : i64, scratch_operands = 3 : i64, tpu.core_type = #tpu.core_type<sc_vector_subcore>, window_params = [{transform_indices = #map}, {transform_indices = #map}, {transform_indices = #map}]} {
    %mul3A = arith.constant 2 : i32
    %mul3A_0 = arith.muli %arg1, %mul3A : i32
    %add3A = arith.addi %mul3A_0, %arg0 : i32
    %mul3A_1 = arith.constant 10240 : i32
    %mul3A_2 = arith.muli %add3A, %mul3A_1 : i32
    "tpu.region"() ({
      %run_scoped3A = tpu.sem_alloc : memref<!tpu.dma_semaphore, #tpu.memory_space<semaphore_mem>>
      tpu.enqueue_dma source(%arg2 : memref<16384xi32, #tpu.memory_space<hbm>>) target(%arg5 : memref<16384xi32, #tpu.memory_space<vmem>>) target_semaphore(%run_scoped3A : memref<!tpu.dma_semaphore, #tpu.memory_space<semaphore_mem>>)
      tpu.wait_dma2 semaphore(%run_scoped3A : memref<!tpu.dma_semaphore, #tpu.memory_space<semaphore_mem>>) src(%arg2 : memref<16384xi32, #tpu.memory_space<hbm>>) dst(%arg5 : memref<16384xi32, #tpu.memory_space<vmem>>)
      tpu.yield
    }) : () -> ()
    "tpu.region"() ({
      %run_scoped3A = tpu.sem_alloc : memref<!tpu.dma_semaphore, #tpu.memory_space<semaphore_mem>>
      %dma_start3A = tpu.memref_slice %arg3[%mul3A_2] : memref<327680xi32, #tpu.memory_space<hbm>> -> memref<10240xi32, #tpu.memory_space<hbm>>
      %dma_start3A_8 = tpu.memref_slice %arg3[%mul3A_2] : memref<327680xi32, #tpu.memory_space<hbm>> -> memref<10240xi32, #tpu.memory_space<hbm>>
      tpu.enqueue_dma source(%dma_start3A_8 : memref<10240xi32, #tpu.memory_space<hbm>>) target(%arg6 : memref<10240xi32, #tpu.memory_space<vmem>>) target_semaphore(%run_scoped3A : memref<!tpu.dma_semaphore, #tpu.memory_space<semaphore_mem>>)
      %dma_wait3A = tpu.memref_slice %arg3[%mul3A_2] : memref<327680xi32, #tpu.memory_space<hbm>> -> memref<10240xi32, #tpu.memory_space<hbm>>
      %dma_wait3A_9 = tpu.memref_slice %arg3[%mul3A_2] : memref<327680xi32, #tpu.memory_space<hbm>> -> memref<10240xi32, #tpu.memory_space<hbm>>
      tpu.wait_dma2 semaphore(%run_scoped3A : memref<!tpu.dma_semaphore, #tpu.memory_space<semaphore_mem>>) src(%dma_wait3A_9 : memref<10240xi32, #tpu.memory_space<hbm>>) dst(%arg6 : memref<10240xi32, #tpu.memory_space<vmem>>)
      tpu.yield
    }) : () -> ()
    %iota3A = tpu.iota {dimensions = array<i32: 0>} : vector<16xi32>
    %scan3A = arith.constant 0 : i32
    %scan3A_3 = arith.constant 0 : i32
    %scan3A_4 = arith.constant 80 : i32
    %scan3A_5 = arith.addi %scan3A_3, %scan3A_4 : i32
    %scan3A_6 = arith.constant 1 : i32
    scf.for %scan3A_8 = %scan3A_3 to %scan3A_5 step %scan3A_6  : i32 {
      %mul3A_9 = arith.constant 128 : i32
      %mul3A_10 = arith.muli %scan3A_8, %mul3A_9 : i32
      %add3A_11 = arith.constant 0 : i32
      %add3A_12 = arith.addi %mul3A_10, %add3A_11 : i32
      %add3A_13 = arith.addi %mul3A_2, %add3A_12 : i32
      %add3A_14 = vector.broadcast %add3A_13 : i32 to vector<16xi32>
      %add3A_15 = arith.addi %add3A_14, %iota3A : vector<16xi32>
      %and3A = arith.constant 16383 : i32
      %and3A_16 = vector.broadcast %and3A : i32 to vector<16xi32>
      %and3A_17 = arith.andi %add3A_15, %and3A_16 : vector<16xi32>
      %gather3A = tpu.vector_load_idx %arg5[%and3A_17] : memref<16384xi32, #tpu.memory_space<vmem>>[vector<16xi32>], vector<16xi32>,
      %get3A = arith.index_cast %add3A_12 : i32 to index
      %get3A_18 = tpu.vector_load %arg6[%get3A] {strides = array<i32>} : memref<10240xi32, #tpu.memory_space<vmem>>, vector<16xi32>,
      %mul3A_19 = arith.constant 100000 : i32
      %mul3A_20 = vector.broadcast %mul3A_19 : i32 to vector<16xi32>
      %mul3A_21 = arith.muli %get3A_18, %mul3A_20 : vector<16xi32>
      %add3A_22 = arith.addi %mul3A_21, %gather3A : vector<16xi32>
      %swap3A = arith.index_cast %add3A_12 : i32 to index
      %swap3A_23 = tpu.vector_load %arg7[%swap3A] {strides = array<i32>} : memref<10240xi32, #tpu.memory_space<vmem>>, vector<16xi32>,
      tpu.vector_store %arg7[%swap3A], %add3A_22 {strides = array<i32>} : memref<10240xi32, #tpu.memory_space<vmem>>, vector<16xi32>,
      %mul3A_24 = arith.constant 128 : i32
      %mul3A_25 = arith.muli %scan3A_8, %mul3A_24 : i32
      %add3A_26 = arith.constant 16 : i32
      %add3A_27 = arith.addi %mul3A_25, %add3A_26 : i32
      %add3A_28 = arith.addi %mul3A_2, %add3A_27 : i32
      %add3A_29 = vector.broadcast %add3A_28 : i32 to vector<16xi32>
      %add3A_30 = arith.addi %add3A_29, %iota3A : vector<16xi32>
      %and3A_31 = arith.constant 16383 : i32
      %and3A_32 = vector.broadcast %and3A_31 : i32 to vector<16xi32>
      %and3A_33 = arith.andi %add3A_30, %and3A_32 : vector<16xi32>
      %gather3A_34 = tpu.vector_load_idx %arg5[%and3A_33] : memref<16384xi32, #tpu.memory_space<vmem>>[vector<16xi32>], vector<16xi32>,
      %get3A_35 = arith.index_cast %add3A_27 : i32 to index
      %get3A_36 = tpu.vector_load %arg6[%get3A_35] {strides = array<i32>} : memref<10240xi32, #tpu.memory_space<vmem>>, vector<16xi32>,
      %mul3A_37 = arith.constant 100000 : i32
      %mul3A_38 = vector.broadcast %mul3A_37 : i32 to vector<16xi32>
      %mul3A_39 = arith.muli %get3A_36, %mul3A_38 : vector<16xi32>
      %add3A_40 = arith.addi %mul3A_39, %gather3A_34 : vector<16xi32>
      %swap3A_41 = arith.index_cast %add3A_27 : i32 to index
      %swap3A_42 = tpu.vector_load %arg7[%swap3A_41] {strides = array<i32>} : memref<10240xi32, #tpu.memory_space<vmem>>, vector<16xi32>,
      tpu.vector_store %arg7[%swap3A_41], %add3A_40 {strides = array<i32>} : memref<10240xi32, #tpu.memory_space<vmem>>, vector<16xi32>,
      %mul3A_43 = arith.constant 128 : i32
      %mul3A_44 = arith.muli %scan3A_8, %mul3A_43 : i32
      %add3A_45 = arith.constant 32 : i32
      %add3A_46 = arith.addi %mul3A_44, %add3A_45 : i32
      %add3A_47 = arith.addi %mul3A_2, %add3A_46 : i32
      %add3A_48 = vector.broadcast %add3A_47 : i32 to vector<16xi32>
      %add3A_49 = arith.addi %add3A_48, %iota3A : vector<16xi32>
      %and3A_50 = arith.constant 16383 : i32
      %and3A_51 = vector.broadcast %and3A_50 : i32 to vector<16xi32>
      %and3A_52 = arith.andi %add3A_49, %and3A_51 : vector<16xi32>
      %gather3A_53 = tpu.vector_load_idx %arg5[%and3A_52] : memref<16384xi32, #tpu.memory_space<vmem>>[vector<16xi32>], vector<16xi32>,
      %get3A_54 = arith.index_cast %add3A_46 : i32 to index
      %get3A_55 = tpu.vector_load %arg6[%get3A_54] {strides = array<i32>} : memref<10240xi32, #tpu.memory_space<vmem>>, vector<16xi32>,
      %mul3A_56 = arith.constant 100000 : i32
      %mul3A_57 = vector.broadcast %mul3A_56 : i32 to vector<16xi32>
      %mul3A_58 = arith.muli %get3A_55, %mul3A_57 : vector<16xi32>
      %add3A_59 = arith.addi %mul3A_58, %gather3A_53 : vector<16xi32>
      %swap3A_60 = arith.index_cast %add3A_46 : i32 to index
      %swap3A_61 = tpu.vector_load %arg7[%swap3A_60] {strides = array<i32>} : memref<10240xi32, #tpu.memory_space<vmem>>, vector<16xi32>,
      tpu.vector_store %arg7[%swap3A_60], %add3A_59 {strides = array<i32>} : memref<10240xi32, #tpu.memory_space<vmem>>, vector<16xi32>,
      %mul3A_62 = arith.constant 128 : i32
      %mul3A_63 = arith.muli %scan3A_8, %mul3A_62 : i32
      %add3A_64 = arith.constant 48 : i32
      %add3A_65 = arith.addi %mul3A_63, %add3A_64 : i32
      %add3A_66 = arith.addi %mul3A_2, %add3A_65 : i32
      %add3A_67 = vector.broadcast %add3A_66 : i32 to vector<16xi32>
      %add3A_68 = arith.addi %add3A_67, %iota3A : vector<16xi32>
      %and3A_69 = arith.constant 16383 : i32
      %and3A_70 = vector.broadcast %and3A_69 : i32 to vector<16xi32>
      %and3A_71 = arith.andi %add3A_68, %and3A_70 : vector<16xi32>
      %gather3A_72 = tpu.vector_load_idx %arg5[%and3A_71] : memref<16384xi32, #tpu.memory_space<vmem>>[vector<16xi32>], vector<16xi32>,
      %get3A_73 = arith.index_cast %add3A_65 : i32 to index
      %get3A_74 = tpu.vector_load %arg6[%get3A_73] {strides = array<i32>} : memref<10240xi32, #tpu.memory_space<vmem>>, vector<16xi32>,
      %mul3A_75 = arith.constant 100000 : i32
      %mul3A_76 = vector.broadcast %mul3A_75 : i32 to vector<16xi32>
      %mul3A_77 = arith.muli %get3A_74, %mul3A_76 : vector<16xi32>
      %add3A_78 = arith.addi %mul3A_77, %gather3A_72 : vector<16xi32>
      %swap3A_79 = arith.index_cast %add3A_65 : i32 to index
      %swap3A_80 = tpu.vector_load %arg7[%swap3A_79] {strides = array<i32>} : memref<10240xi32, #tpu.memory_space<vmem>>, vector<16xi32>,
      tpu.vector_store %arg7[%swap3A_79], %add3A_78 {strides = array<i32>} : memref<10240xi32, #tpu.memory_space<vmem>>, vector<16xi32>,
      %mul3A_81 = arith.constant 128 : i32
      %mul3A_82 = arith.muli %scan3A_8, %mul3A_81 : i32
      %add3A_83 = arith.constant 64 : i32
      %add3A_84 = arith.addi %mul3A_82, %add3A_83 : i32
      %add3A_85 = arith.addi %mul3A_2, %add3A_84 : i32
      %add3A_86 = vector.broadcast %add3A_85 : i32 to vector<16xi32>
      %add3A_87 = arith.addi %add3A_86, %iota3A : vector<16xi32>
      %and3A_88 = arith.constant 16383 : i32
      %and3A_89 = vector.broadcast %and3A_88 : i32 to vector<16xi32>
      %and3A_90 = arith.andi %add3A_87, %and3A_89 : vector<16xi32>
      %gather3A_91 = tpu.vector_load_idx %arg5[%and3A_90] : memref<16384xi32, #tpu.memory_space<vmem>>[vector<16xi32>], vector<16xi32>,
      %get3A_92 = arith.index_cast %add3A_84 : i32 to index
      %get3A_93 = tpu.vector_load %arg6[%get3A_92] {strides = array<i32>} : memref<10240xi32, #tpu.memory_space<vmem>>, vector<16xi32>,
      %mul3A_94 = arith.constant 100000 : i32
      %mul3A_95 = vector.broadcast %mul3A_94 : i32 to vector<16xi32>
      %mul3A_96 = arith.muli %get3A_93, %mul3A_95 : vector<16xi32>
      %add3A_97 = arith.addi %mul3A_96, %gather3A_91 : vector<16xi32>
      %swap3A_98 = arith.index_cast %add3A_84 : i32 to index
      %swap3A_99 = tpu.vector_load %arg7[%swap3A_98] {strides = array<i32>} : memref<10240xi32, #tpu.memory_space<vmem>>, vector<16xi32>,
      tpu.vector_store %arg7[%swap3A_98], %add3A_97 {strides = array<i32>} : memref<10240xi32, #tpu.memory_space<vmem>>, vector<16xi32>,
      %mul3A_100 = arith.constant 128 : i32
      %mul3A_101 = arith.muli %scan3A_8, %mul3A_100 : i32
      %add3A_102 = arith.constant 80 : i32
      %add3A_103 = arith.addi %mul3A_101, %add3A_102 : i32
      %add3A_104 = arith.addi %mul3A_2, %add3A_103 : i32
      %add3A_105 = vector.broadcast %add3A_104 : i32 to vector<16xi32>
      %add3A_106 = arith.addi %add3A_105, %iota3A : vector<16xi32>
      %and3A_107 = arith.constant 16383 : i32
      %and3A_108 = vector.broadcast %and3A_107 : i32 to vector<16xi32>
      %and3A_109 = arith.andi %add3A_106, %and3A_108 : vector<16xi32>
      %gather3A_110 = tpu.vector_load_idx %arg5[%and3A_109] : memref<16384xi32, #tpu.memory_space<vmem>>[vector<16xi32>], vector<16xi32>,
      %get3A_111 = arith.index_cast %add3A_103 : i32 to index
      %get3A_112 = tpu.vector_load %arg6[%get3A_111] {strides = array<i32>} : memref<10240xi32, #tpu.memory_space<vmem>>, vector<16xi32>,
      %mul3A_113 = arith.constant 100000 : i32
      %mul3A_114 = vector.broadcast %mul3A_113 : i32 to vector<16xi32>
      %mul3A_115 = arith.muli %get3A_112, %mul3A_114 : vector<16xi32>
      %add3A_116 = arith.addi %mul3A_115, %gather3A_110 : vector<16xi32>
      %swap3A_117 = arith.index_cast %add3A_103 : i32 to index
      %swap3A_118 = tpu.vector_load %arg7[%swap3A_117] {strides = array<i32>} : memref<10240xi32, #tpu.memory_space<vmem>>, vector<16xi32>,
      tpu.vector_store %arg7[%swap3A_117], %add3A_116 {strides = array<i32>} : memref<10240xi32, #tpu.memory_space<vmem>>, vector<16xi32>,
      %mul3A_119 = arith.constant 128 : i32
      %mul3A_120 = arith.muli %scan3A_8, %mul3A_119 : i32
      %add3A_121 = arith.constant 96 : i32
      %add3A_122 = arith.addi %mul3A_120, %add3A_121 : i32
      %add3A_123 = arith.addi %mul3A_2, %add3A_122 : i32
      %add3A_124 = vector.broadcast %add3A_123 : i32 to vector<16xi32>
      %add3A_125 = arith.addi %add3A_124, %iota3A : vector<16xi32>
      %and3A_126 = arith.constant 16383 : i32
      %and3A_127 = vector.broadcast %and3A_126 : i32 to vector<16xi32>
      %and3A_128 = arith.andi %add3A_125, %and3A_127 : vector<16xi32>
      %gather3A_129 = tpu.vector_load_idx %arg5[%and3A_128] : memref<16384xi32, #tpu.memory_space<vmem>>[vector<16xi32>], vector<16xi32>,
      %get3A_130 = arith.index_cast %add3A_122 : i32 to index
      %get3A_131 = tpu.vector_load %arg6[%get3A_130] {strides = array<i32>} : memref<10240xi32, #tpu.memory_space<vmem>>, vector<16xi32>,
      %mul3A_132 = arith.constant 100000 : i32
      %mul3A_133 = vector.broadcast %mul3A_132 : i32 to vector<16xi32>
      %mul3A_134 = arith.muli %get3A_131, %mul3A_133 : vector<16xi32>
      %add3A_135 = arith.addi %mul3A_134, %gather3A_129 : vector<16xi32>
      %swap3A_136 = arith.index_cast %add3A_122 : i32 to index
      %swap3A_137 = tpu.vector_load %arg7[%swap3A_136] {strides = array<i32>} : memref<10240xi32, #tpu.memory_space<vmem>>, vector<16xi32>,
      tpu.vector_store %arg7[%swap3A_136], %add3A_135 {strides = array<i32>} : memref<10240xi32, #tpu.memory_space<vmem>>, vector<16xi32>,
      %mul3A_138 = arith.constant 128 : i32
      %mul3A_139 = arith.muli %scan3A_8, %mul3A_138 : i32
      %add3A_140 = arith.constant 112 : i32
      %add3A_141 = arith.addi %mul3A_139, %add3A_140 : i32
      %add3A_142 = arith.addi %mul3A_2, %add3A_141 : i32
      %add3A_143 = vector.broadcast %add3A_142 : i32 to vector<16xi32>
      %add3A_144 = arith.addi %add3A_143, %iota3A : vector<16xi32>
      %and3A_145 = arith.constant 16383 : i32
      %and3A_146 = vector.broadcast %and3A_145 : i32 to vector<16xi32>
      %and3A_147 = arith.andi %add3A_144, %and3A_146 : vector<16xi32>
      %gather3A_148 = tpu.vector_load_idx %arg5[%and3A_147] : memref<16384xi32, #tpu.memory_space<vmem>>[vector<16xi32>], vector<16xi32>,
      %get3A_149 = arith.index_cast %add3A_141 : i32 to index
      %get3A_150 = tpu.vector_load %arg6[%get3A_149] {strides = array<i32>} : memref<10240xi32, #tpu.memory_space<vmem>>, vector<16xi32>,
      %mul3A_151 = arith.constant 100000 : i32
      %mul3A_152 = vector.broadcast %mul3A_151 : i32 to vector<16xi32>
      %mul3A_153 = arith.muli %get3A_150, %mul3A_152 : vector<16xi32>
      %add3A_154 = arith.addi %mul3A_153, %gather3A_148 : vector<16xi32>
      %swap3A_155 = arith.index_cast %add3A_141 : i32 to index
      %swap3A_156 = tpu.vector_load %arg7[%swap3A_155] {strides = array<i32>} : memref<10240xi32, #tpu.memory_space<vmem>>, vector<16xi32>,
      tpu.vector_store %arg7[%swap3A_155], %add3A_154 {strides = array<i32>} : memref<10240xi32, #tpu.memory_space<vmem>>, vector<16xi32>,
    }
    %scan3A_7 = arith.constant 80 : i32
    "tpu.region"() ({
      %run_scoped3A = tpu.sem_alloc : memref<!tpu.dma_semaphore, #tpu.memory_space<semaphore_mem>>
      %dma_start3A = tpu.memref_slice %arg4[%mul3A_2] : memref<327680xi32, #tpu.memory_space<hbm>> -> memref<10240xi32, #tpu.memory_space<hbm>>
      %dma_start3A_8 = tpu.memref_slice %arg4[%mul3A_2] : memref<327680xi32, #tpu.memory_space<hbm>> -> memref<10240xi32, #tpu.memory_space<hbm>>
      tpu.enqueue_dma source(%arg7 : memref<10240xi32, #tpu.memory_space<vmem>>) target(%dma_start3A_8 : memref<10240xi32, #tpu.memory_space<hbm>>) target_semaphore(%run_scoped3A : memref<!tpu.dma_semaphore, #tpu.memory_space<semaphore_mem>>)
      %dma_wait3A = tpu.memref_slice %arg4[%mul3A_2] : memref<327680xi32, #tpu.memory_space<hbm>> -> memref<10240xi32, #tpu.memory_space<hbm>>
      %dma_wait3A_9 = tpu.memref_slice %arg4[%mul3A_2] : memref<327680xi32, #tpu.memory_space<hbm>> -> memref<10240xi32, #tpu.memory_space<hbm>>
      tpu.wait_dma2 semaphore(%run_scoped3A : memref<!tpu.dma_semaphore, #tpu.memory_space<semaphore_mem>>) src(%arg7 : memref<10240xi32, #tpu.memory_space<vmem>>) dst(%dma_wait3A_9 : memref<10240xi32, #tpu.memory_space<hbm>>)
      tpu.yield
    }) : () -> ()
    return
  }
}

#map = affine_map<(d0, d1) -> (0)>
module attributes {stable_mosaic.version = 14 : i64} {
  func.func @_gather_body(%arg0: i32, %arg1: i32, %arg2: memref<20000000xi32, #tpu.memory_space<hbm>>, %arg3: memref<327680xi32, #tpu.memory_space<hbm>>, %arg4: memref<327680xi32, #tpu.memory_space<hbm>>, %arg5: memref<10240xi32, #tpu.memory_space<vmem>>, %arg6: memref<10240xi32, #tpu.memory_space<vmem>>, %arg7: memref<!tpu.dma_semaphore, #tpu.memory_space<semaphore_mem>>) attributes {dimension_semantics = [#tpu.dimension_semantics<core_parallel>, #tpu.dimension_semantics<subcore_parallel>], iteration_bounds = array<i64: 2, 16>, scalar_prefetch = 0 : i64, scratch_operands = 3 : i64, tpu.core_type = #tpu.core_type<sc_vector_subcore>, window_params = [{transform_indices = #map}, {transform_indices = #map}, {transform_indices = #map}]} {
    %mul3A = arith.constant 2 : i32
    %mul3A_0 = arith.muli %arg1, %mul3A : i32
    %add3A = arith.addi %mul3A_0, %arg0 : i32
    %mul3A_1 = arith.constant 10240 : i32
    %mul3A_2 = arith.muli %add3A, %mul3A_1 : i32
    "tpu.region"() ({
      %run_scoped3A = tpu.sem_alloc : memref<!tpu.dma_semaphore, #tpu.memory_space<semaphore_mem>>
      %dma_start3A = tpu.memref_slice %arg3[%mul3A_2] : memref<327680xi32, #tpu.memory_space<hbm>> -> memref<10240xi32, #tpu.memory_space<hbm>>
      %dma_start3A_11 = tpu.memref_slice %arg3[%mul3A_2] : memref<327680xi32, #tpu.memory_space<hbm>> -> memref<10240xi32, #tpu.memory_space<hbm>>
      tpu.enqueue_dma source(%dma_start3A_11 : memref<10240xi32, #tpu.memory_space<hbm>>) target(%arg5 : memref<10240xi32, #tpu.memory_space<vmem>>) target_semaphore(%run_scoped3A : memref<!tpu.dma_semaphore, #tpu.memory_space<semaphore_mem>>)
      %dma_wait3A_12 = tpu.memref_slice %arg3[%mul3A_2] : memref<327680xi32, #tpu.memory_space<hbm>> -> memref<10240xi32, #tpu.memory_space<hbm>>
      %dma_wait3A_13 = tpu.memref_slice %arg3[%mul3A_2] : memref<327680xi32, #tpu.memory_space<hbm>> -> memref<10240xi32, #tpu.memory_space<hbm>>
      tpu.wait_dma2 semaphore(%run_scoped3A : memref<!tpu.dma_semaphore, #tpu.memory_space<semaphore_mem>>) src(%dma_wait3A_13 : memref<10240xi32, #tpu.memory_space<hbm>>) dst(%arg5 : memref<10240xi32, #tpu.memory_space<vmem>>)
      tpu.yield
    }) : () -> ()
    %scan3A = arith.constant 0 : i32
    %scan3A_3 = arith.constant 0 : i32
    %scan3A_4 = arith.constant 80 : i32
    %scan3A_5 = arith.addi %scan3A_3, %scan3A_4 : i32
    %scan3A_6 = arith.constant 1 : i32
    scf.for %scan3A_11 = %scan3A_3 to %scan3A_5 step %scan3A_6  : i32 {
      %mul3A_12 = arith.constant 128 : i32
      %mul3A_13 = arith.muli %scan3A_11, %mul3A_12 : i32
      %mul3A_14 = arith.constant 128 : i32
      %mul3A_15 = arith.muli %scan3A_11, %mul3A_14 : i32
      %dma_start3A = tpu.memref_slice %arg6[%mul3A_15] : memref<10240xi32, #tpu.memory_space<vmem>> -> memref<128xi32, #tpu.memory_space<vmem>>
      %dma_start3A_16 = tpu.memref_slice %arg5[%mul3A_13] : memref<10240xi32, #tpu.memory_space<vmem>> -> memref<128xi32, #tpu.memory_space<vmem>>
      %dma_start3A_17 = arith.constant 0 : i32
      %dma_start3A_18 = tpu.memref_slice %arg2[%dma_start3A_17] : memref<20000000xi32, #tpu.memory_space<hbm>> -> memref<20000000xi32, #tpu.memory_space<hbm>>
      tpu.enqueue_indirect_dma source(%dma_start3A_18 : memref<20000000xi32, #tpu.memory_space<hbm>>) target(%dma_start3A : memref<128xi32, #tpu.memory_space<vmem>>) offsets(%dma_start3A_16 : memref<128xi32, #tpu.memory_space<vmem>>) semaphore(%arg7 : memref<!tpu.dma_semaphore, #tpu.memory_space<semaphore_mem>>)
    }
    %scan3A_7 = arith.constant 80 : i32
    %dma_wait3A = arith.constant 0 : i32
    %dma_wait3A_8 = tpu.memref_slice %arg2[%dma_wait3A] : memref<20000000xi32, #tpu.memory_space<hbm>> -> memref<10240xi32, #tpu.memory_space<hbm>>
    %dma_wait3A_9 = arith.constant 0 : i32
    %dma_wait3A_10 = tpu.memref_slice %arg2[%dma_wait3A_9] : memref<20000000xi32, #tpu.memory_space<hbm>> -> memref<10240xi32, #tpu.memory_space<hbm>>
    tpu.wait_dma2 semaphore(%arg7 : memref<!tpu.dma_semaphore, #tpu.memory_space<semaphore_mem>>) src(%dma_wait3A_10 : memref<10240xi32, #tpu.memory_space<hbm>>) dst(%arg6 : memref<10240xi32, #tpu.memory_space<vmem>>)
    "tpu.region"() ({
      %run_scoped3A = tpu.sem_alloc : memref<!tpu.dma_semaphore, #tpu.memory_space<semaphore_mem>>
      %dma_start3A = tpu.memref_slice %arg4[%mul3A_2] : memref<327680xi32, #tpu.memory_space<hbm>> -> memref<10240xi32, #tpu.memory_space<hbm>>
      %dma_start3A_11 = tpu.memref_slice %arg4[%mul3A_2] : memref<327680xi32, #tpu.memory_space<hbm>> -> memref<10240xi32, #tpu.memory_space<hbm>>
      tpu.enqueue_dma source(%arg6 : memref<10240xi32, #tpu.memory_space<vmem>>) target(%dma_start3A_11 : memref<10240xi32, #tpu.memory_space<hbm>>) target_semaphore(%run_scoped3A : memref<!tpu.dma_semaphore, #tpu.memory_space<semaphore_mem>>)
      %dma_wait3A_12 = tpu.memref_slice %arg4[%mul3A_2] : memref<327680xi32, #tpu.memory_space<hbm>> -> memref<10240xi32, #tpu.memory_space<hbm>>
      %dma_wait3A_13 = tpu.memref_slice %arg4[%mul3A_2] : memref<327680xi32, #tpu.memory_space<hbm>> -> memref<10240xi32, #tpu.memory_space<hbm>>
      tpu.wait_dma2 semaphore(%run_scoped3A : memref<!tpu.dma_semaphore, #tpu.memory_space<semaphore_mem>>) src(%arg6 : memref<10240xi32, #tpu.memory_space<vmem>>) dst(%dma_wait3A_13 : memref<10240xi32, #tpu.memory_space<hbm>>)
      tpu.yield
    }) : () -> ()
    return
  }
}

</mosaic_0001>

<sc_bundles>
// kernel: kernel.4.cloned.1.call-start
scs
__scs_entry_jumppad:
0x0: {  	(pc) =	sbr.rel $0x88, $3  }
0x1: {  	(tag) =	ssettag $0x0;
	lr =	simm.s32 $0x1  }
0x2: {  	[smem:$0x3F9E] =	sst lr;
	_ =	strace $0xD0000000  }
0x3: {  	_ = 	snop  }
0x4: {  	_ = 	snop  }
0x5: {  	_ = 	snop  }
0x6: {  	_ = 	snop  }
0x7: {  	_ = 	snop  }
__scs_overlays_trampoline_lowered:
0x8: {  	[smem:$0x3FAD] =	sst s0  }
0x9: {  	[smem:$0x3FAE] =	sst s1  }
0xa: {  	[smem:$0x3FAF] =	sst s2  }
0xb: {  	[smem:$0x3FB0] =	sst s3  }
0xc: {  	[smem:$0x3FB1] =	sst s4  }
0xd: {  	[smem:$0x3FB2] =	sst s5  }
0xe: {  	[smem:$0x3FB3] =	sst s6  }
0xf: {  	[smem:$0x3FB4] =	sst s7  }
0x10: {  	[smem:$0x3FB5] =	sst s8  }
0x11: {  	[smem:$0x3FB6] =	sst s9;
	s0 =	simm.s32 @!p0 $0x0  }
0x12: {  	s1 =	sld [smem:$0x3F9C];
	s0 =	simm.s32 @p0 $0x1  }
0x13: {  	[smem:$0x3FB7] =	sst s0;
	s0 =	simm.s32 @!p1 $0x0  }
0x14: {  	s2 =	sld [smem:$0x3F9B];
	s0 =	simm.s32 @p1 $0x1  }
0x15: {  	[smem:$0x3FB8] =	sst s0;
	s0 =	simm.s32 @!p2 $0x0  }
0x16: {  	s3 =	sld [smem:$0x3FDB];
	s0 =	simm.s32 @p2 $0x1  }
0x17: {  	s4 =	simm.s32 $0x1BF5;
	[smem:$0x3FBA] =	sst s0  }
0x18: {  	s0 =	sld [smem:$0x3F9D];
	_ =	swait.ge [sflag:s4], $0x0  }
0x19: {  	s7 =	sld [smem:$0x3F9E]  }
0x1a: {  	s8 =	sadd.s32 $0xFFFFE003, lr  }
0x1b: {  	s9 =	sadd.s32 $0xFFFFFEF7, lr;
	s5 =	simm.s32 $0xFFFFFFFF;
	p2 =	slt.u32 s8, $0xFFFFF086  }
0x1c: {  	p1 =	slt.u32 s9, $0xF7A;
	s5 =	simm.s32 @!p2 $0x0  }
0x1d: {  	s5 =	simm.s32 @p1 $0x1;
	p0 =	seq.s32 s7, s2  }
0x1e: {  	s7 =	smul.u32 @!p0 $0xF7A, s2;
	p2 =	seq.s32 @!p0 s5, $0x0  }
0x1f: {  	s9 =	smul.u32 $0xF7A, s1;
	s8 =	simm.s32 @!p0 $0x1BF5;
	p2 =	por !p2, p0  }
0x20: {  	[sflag:s8] =	ssyncset.s32 @!p0 $0xFFFFF086;
	s6 =	sadd.s32 @!p0 s3, s7;
	s7 =	simm.s32 @!p0 $0x108  }
0x21: {  	s3 =	sadd.s32 s3, s9;
	s6 =	sadd.s32 @!p0 $0x88, s6;
	s7 =	simm.s32 @p2 $0x1082  }
0x22: {  	[simem:s7], [sflag:s8] =	dma.local @!p0 [hbm:s6], $0xF7A  }
0x23: {  	s9 =	sor.u32 $0xD0000000, s2;
	s6 =	simm.s32 $0x108;
	_ =	swait.ge @!p0 [sflag:s8], $0x0  }
0x24: {  	s3 =	sadd.s32 $0x88, s3;
	s6 =	simm.s32 @!p1 $0x1082;
	[sflag:s4] =	ssyncset.s32 $0xFFFFF086  }
0x25: {  	[simem:s6], [sflag:s4] =	dma.local [hbm:s3], $0xF7A  }
0x26: {  	[smem:$0x3F9E] =	sst s1;
	(tag) =	ssettag s2;
	_ =	strace s9  }
0x27: {  	s1 =	sld [smem:$0x3FAE]  }
0x28: {  	s2 =	sld [smem:$0x3FAF]  }
0x29: {  	s4 =	sld [smem:$0x3FB1]  }
0x2a: {  	p0 =	seq.s32 s5, $0x0;
	s5 =	sld [smem:$0x3FB2]  }
0x2b: {  	s6 =	sld [smem:$0x3FB3]  }
0x2c: {  	s7 =	sld [smem:$0x3FB4]  }
0x2d: {  	s3 =	simm.s32 $0x108;
	s8 =	sld [smem:$0x3FB5]  }
0x2e: {  	s3 =	simm.s32 @!p0 $0x1082;
	s9 =	sld [smem:$0x3FB6]  }
0x2f: {  	lr =	sadd.s32 s0, s3;
	s0 =	sld [smem:$0x3FAD]  }
0x30: {  	s3 =	sld [smem:$0x3FB0]  }
0x31: {  	[smem:$0x3FB9] =	sst s10  }
0x32: {  	s10 =	sld [smem:$0x3FB7];
	_ =	sdelay $0x3  }
0x33: {  	p0 =	seq.s32 s10, $0x1;
	s10 =	sld [smem:$0x3FB9];
	_ =	sdelay $0x3  }
0x34: {  	[smem:$0x3FB9] =	sst s10  }
0x35: {  	s10 =	sld [smem:$0x3FB8];
	_ =	sdelay $0x3  }
0x36: {  	p1 =	seq.s32 s10, $0x1;
	s10 =	sld [smem:$0x3FB9];
	_ =	sdelay $0x3  }
0x37: {  	[smem:$0x3FB9] =	sst s10  }
0x38: {  	s10 =	sld [smem:$0x3FBA]  }
0x39: {  	_ = 	snop;
	(pc) =	sbr.ind lr, $3  }
0x3a: {  	_ = 	snop  }
0x3b: {  	_ = 	snop  }
0x3c: {  	p2 =	seq.s32 s10, $0x1;
	s10 =	sld [smem:$0x3FB9]  }
0x3d: {  	_ =	shalt  }
0x3e: {  	_ =	shalt  }
0x3f: {  	_ =	shalt  }
0x40: {  	_ =	shalt  }
0x41: {  	_ =	shalt  }
0x42: {  	_ =	shalt  }
0x43: {  	_ =	shalt  }
0x44: {  	_ =	shalt  }
0x45: {  	_ =	shalt  }
0x46: {  	_ =	shalt  }
0x47: {  	_ =	shalt  }
0x48: {  	_ =	shalt  }
0x49: {  	_ =	shalt  }
0x4a: {  	_ =	shalt  }
0x4b: {  	_ =	shalt  }
0x4c: {  	_ =	shalt  }
0x4d: {  	_ =	shalt  }
0x4e: {  	_ =	shalt  }
0x4f: {  	_ =	shalt  }
0x50: {  	_ =	shalt  }
0x51: {  	_ =	shalt  }
0x52: {  	_ =	shalt  }
0x53: {  	_ =	shalt  }
0x54: {  	_ =	shalt  }
0x55: {  	_ =	shalt  }
0x56: {  	_ =	shalt  }
0x57: {  	_ =	shalt  }
0x58: {  	_ =	shalt  }
0x59: {  	_ =	shalt  }
0x5a: {  	_ =	shalt  }
0x5b: {  	_ =	shalt  }
0x5c: {  	_ =	shalt  }
0x5d: {  	_ =	shalt  }
0x5e: {  	_ =	shalt  }
0x5f: {  	_ =	shalt  }
0x60: {  	_ =	shalt  }
0x61: {  	_ =	shalt  }
0x62: {  	_ =	shalt  }
0x63: {  	_ =	shalt  }
0x64: {  	_ =	shalt  }
0x65: {  	_ =	shalt  }
0x66: {  	_ =	shalt  }
0x67: {  	_ =	shalt  }
0x68: {  	_ =	shalt  }
0x69: {  	_ =	shalt  }
0x6a: {  	_ =	shalt  }
0x6b: {  	_ =	shalt  }
0x6c: {  	_ =	shalt  }
0x6d: {  	_ =	shalt  }
0x6e: {  	_ =	shalt  }
0x6f: {  	_ =	shalt  }
0x70: {  	_ =	shalt  }
0x71: {  	_ =	shalt  }
0x72: {  	_ =	shalt  }
0x73: {  	_ =	shalt  }
0x74: {  	_ =	shalt  }
0x75: {  	_ =	shalt  }
0x76: {  	_ =	shalt  }
0x77: {  	_ =	shalt  }
0x78: {  	_ =	shalt  }
0x79: {  	_ =	shalt  }
0x7a: {  	_ =	shalt  }
0x7b: {  	_ =	shalt  }
0x7c: {  	_ =	shalt  }
0x7d: {  	_ =	shalt  }
0x7e: {  	_ =	shalt  }
0x7f: {  	_ =	shalt  }
0x80: {  	_ =	shalt  }
0x81: {  	_ =	shalt  }
0x82: {  	_ =	shalt  }
0x83: {  	_ =	shalt  }
0x84: {  	_ =	shalt  }
0x85: {  	_ =	shalt  }
0x86: {  	_ =	shalt  }
0x87: {  	_ =	shalt  }
.Lfunc_end0:
.L_simem_size_0:
called_computation_lowered:
.L_overlay_start_0:
0x88: {  	s2 =	sld [smem:$0x3FD9]  }
0x89: {  	s3 =	sld [smem:$0x3FFE];
	_ =	sdelay $0x1  }
0x8a: {  	s1 =	srdreg.scid  }
0x8b: {  	s0 =	sand.u32 $0x1, s1  }
0x8c: {  	s15 =	sshll.u32 s0, $0xA;
	s2 =	sadd.s32 s3, s2  }
0x8d: {  	s2 =	sadd.s32 s2, s15  }
0x8e: {  	[smem:$0x3FC5] =	sst s2  }
0x8f: {  	_ = 	snop  }
0x90: {  	s2 =	sld [smem:$0x3FD0];
	_ =	sdelay $0x2  }
0x91: {  	s4 =	simm.s32 $0xA;
	s5 =	simm.s32 $0x10;
	s16 =	sld [smem:$0x3FC9]  }
0x92: {  	[smem:s5], [sflag:s4] =	dma.local [hbm:s2], $0x1  }
0x93: {  	_ =	swait.eq [sflag:s4], $0x1  }
0x94: {  	[sflag:s4] =	ssyncset.done $0x0  }
0x95: {  	s17 =	sld [smem:$0x10];
	[sflag:s4] =	ssyncadd.s32 $0xFFFFFFFF  }
0x96: {  	s18 =	sld [smem:$0x11];
	(tm) =	ssettm $0x1  }
0x97: {  	s19 =	sld [smem:$0x3FFB];
	_ =	sdelay $0x3  }
0x98: {  	_ =	strace s19  }
0x99: {  	s5 =	sld [smem:$0x3FFC];
	_ =	sdelay $0x3  }
0x9a: {  	_ =	strace s5  }
0x9b: {  	s5 =	sld [smem:$0x3FFD];
	_ =	sdelay $0x3  }
0x9c: {  	_ =	strace s5  }
0x9d: {  	_ =	strace $0x8FFFFFFF  }
0x9e: {  	s20 =	sld [smem:$0x3FDB];
	_ =	sdelay $0x1  }
0x9f: {  	s6 =	simm.s32 $_scs_section_size  }
0xa0: {  	s7 =	simm.s32 $_size__tile_overlayer_lowered;
	s8 =	simm.s32 $_tile_overlayer_lowered  }
0xa1: {  	s23 =	simm.s32 $0x1BFF;
	s22 =	sshll.u32 s8, $0x1;
	s5 =	sadd.s32 s6, s20  }
0xa2: {  	s9 =	simm.s32 $0x0;
	s21 =	sshll.u32 s7, $0x1;
	s7 =	sadd.s32 s22, s5  }
0xa3: {  	[timem:s9], [sflag:s23] =	dma.local [hbm:s7], s21  }
0xa4: {  	_ =	swait.ge [sflag:s23], s21  }
0xa5: {  	s6 =	ssub.s32 $0x0, s21;
	[sflag:s23] =	ssyncset.done $0x0  }
0xa6: {  	[sflag:s23] =	ssyncadd.s32 s6;
	_ =	sdelay $0x1  }
0xa7: {  	s24 =	simm.s32 $0x1B8B  }
0xa8: {  	_ =	swait.ge [sflag:s24], $0x1  }
0xa9: {  	[sflag:s24] =	ssyncset.done $0x0  }
0xaa: {  	s25 =	simm.s32 $0x1B8E;
	[sflag:s24] =	ssyncadd.s32 $0xFFFFFFFF  }
0xab: {  	s26 =	simm.s32 $execute0_lowered;
	[smem:$0x3FD2] =	sst s25  }
0xac: {  	s6 =	sshll.u32 s26, $0x1;
	_ =	strace $0x80000046;
	[dreg:$0x1] =	wrdreg $0xFFFFFFFF  }
0xad: {  	s28 =	simm.s32 $_size_execute0_lowered;
	s5 =	sadd.s32 s5, s6;
	[dreg:$0x0] =	wrdreg $0x0  }
0xae: {  	s6 =	sshll.u32 s28, $0x1;
	[dreg:$0x2] =	wrdreg s5  }
0xaf: {  	[dreg:$0x3] =	wrdreg s6  }
0xb0: {  	[dreg:$0x4] =	wrdreg $0xC0  }
0xb1: {  	_ =	task [dreg:s9], $0x5FFFF  }
0xb2: {  	[dreg:$0x1] =	wrdreg $0xFFFFFFFF  }
0xb3: {  	[dreg:$0x0] =	wrdreg $0x60  }
0xb4: {  	[dreg:$0x2] =	wrdreg s16  }
0xb5: {  	[dreg:$0x3] =	wrdreg s18  }
0xb6: {  	[dreg:$0x4] =	wrdreg s17  }
0xb7: {  	[dreg:$0x5] =	wrdreg $0x9  }
0xb8: {  	_ =	task.clear_ibuf [dreg:s9], $0x6FFFF;
	_ =	strace $0x90000046  }
0xb9: {  	s29 =	simm.s32 $0x9;
	_ =	strace $0x80000048  }
0xba: {  	_ =	swait.ge [sflag:s29], $0x1  }
0xbb: {  	[sflag:s29] =	ssyncadd.s32 $0xFFFFFFFF  }
0xbc: {  	_ =	strace $0x90000048  }
0xbd: {  	_ =	sfence  }
0xbe: {  	s30 =	sld [smem:$0x0];
	_ =	sdelay $0x2  }
0xbf: {  	s31 =	sshll.u32 s1, $0xD;
	s1 =	sshrl.u32 s1, $0x2  }
0xc0: {  	s3 =	sand.u32 $0x4000, s31;
	s1 =	sadd.s32 s1, s30  }
0xc1: {  	s0 =	sor.u32 s3, s0;
	s1 =	sshll.u32 s1, $0x11  }
0xc2: {  	s0 =	sor.u32 s1, s0  }
0xc3: {  	s0 =	sadd.s32 $0x8F2B, s0  }
0xc4: {  	[sflag:s0] =	ssyncadd.remote.s32 $0x1  }
0xc5: {  	_ =	sfence.sel $0xFFFF  }
0xc6: {  	[dreg:$0x0] =	wrdreg $0xFFFFFFFF;
	(pc) =	sbr.abs _section_cstart, $3  }
0xc7: {  	[dreg:$0x1] =	wrdreg $0xFFFFFFFF  }
0xc8: {  	_ =	task.clear_ibuf [dreg:s9], $0x2FFFF;
	_ =	strace $0x9FFFFFFF  }
0xc9: {  	(tm) =	ssettm $0x7FFFFFFF  }
tec
execute0_lowered:
.L_overlay_start_1:
0x0: {  	(tag) =	ssettag $0x1  }
0x1: {  	s1 =	rddreg [dreg:$0x0]  }
0x2: {  	s4 =	rddreg [dreg:$0x1];
	s2 =	srdreg.scid  }
0x3: {  	s0 =	stileid.u32;
	s5 =	rddreg [dreg:$0x2];
	s3 =	simm.s32 $0x0  }
0x4: {  	s6 =	sand.u32 $0x1, s2;
	s7 =	sshll.u32 s0, $0x1;
	s2 =	rddreg [dreg:$0x3]  }
0x5: {  	s9 =	smul.u32 $0x5000, s0;
	s7 =	sor.u32 s6, s7;
	s8 =	ssub.s32 $0x2, s6  }
0x6: {  	[smem:$0x7FF] =	sst s3;
	s7 =	smul.u32 $0x2800, s7;
	s10 =	sshrl.u32 s8, $0x1  }
0x7: {  	_ =	strace $0x80000047;
	s11 =	smul.u32 $0x2800, s6;
	s31 =	ssub.s32 s8, s10  }
0x8: {  	v1 =	vlaneseq.u32;
	s8 =	simm.s32 $0x1;
	s10 =	simm.s32 $0x6800;
	s7 =	sshrl.u32 s7, $0x3  }
0x9: {  	v0 =	vshrl.u32 v1, $0x3;
	s6 =	smax.u32 s31, $0x1;
	s4 =	sadd.s32 s4, s7;
	s5 =	sadd.s32 s5, s7  }
0xa: {  	v1 =	vand.u32 $0x7, v1;
	v0 =	vmul.u32 $0x8, v0;
	s7 =	sadd.s32 s11, s9;
	s9 =	simm.s32 $0x4000;
	s11 =	simm.s32 $0x0  }
.LBB2_1:
0xb: {  	[tilespmem:s3], [sflag:$0x1] =	stream.linear.gather [hbm4b:s1+s3], $0x4000, $0x38;
	[tilespmem:$0x9000] =	vst v63  }
0xc: {  	_ =	swait.ge [sflag:s8], $0x4000  }
0xd: {  	s14 =	sadd.s32 $0x0, s7;
	[sflag:s8] =	ssyncset.done $0x0  }
0xe: {  	v2 =	vor.u32 s14, v0;
	[sflag:s8] =	ssyncadd.s32 $0xFFFFC000  }
0xf: {  	v2 =	vand.u32 $0x3F88, v2;
	[tilespmem:s9], [sflag:$0x1] =	stream.linear.gather [hbm4b:s4+s3], $0x2800, $0x38;
	[tilespmem:$0x9000] =	vst v63  }
0x10: {  	v2 =	vor.u32 v1, v2;
	_ =	swait.ge [sflag:s8], $0x2800  }
0x11: {  	[sflag:s8] =	ssyncset.done $0x0  }
0x12: {  	s12 =	simm.s32 $0x4040;
	[sflag:s8] =	ssyncadd.s32 $0xFFFFD800  }
0x13: {  	v3 =	vld [tilespmem:s12+$0xFFFFFFC0];
	_ =	sdelay $0x1  }
0x14: {  	v2 =	vld.idx.msk [tilespmem:v2+s3+$0x0], $0xffff  }
0x15: {  	s13 =	sadd.s32 $0x10, s14  }
0x16: {  	v4 =	vor.u32 s13, v0  }
0x17: {  	v4 =	vand.u32 $0x3F98, v4;
	v3 =	vmul.u32 $0x186A0, v3  }
0x18: {  	v4 =	vor.u32 v1, v4  }
0x19: {  	s13 =	simm.s32 $0x6840;
	v2 =	vadd.s32 v2, v3  }
0x1a: {  	[tilespmem:s13+$0xFFFFFFC0] =	vst v2  }
0x1b: {  	v2 =	vld [tilespmem:s12+$0xFFFFFFD0];
	_ =	sdelay $0x1  }
0x1c: {  	v3 =	vld.idx.msk [tilespmem:v4+s3+$0x0], $0xffff  }
0x1d: {  	s15 =	sadd.s32 $0x20, s14  }
0x1e: {  	v4 =	vor.u32 s15, v0  }
0x1f: {  	v4 =	vand.u32 $0x3FA8, v4;
	v2 =	vmul.u32 $0x186A0, v2  }
0x20: {  	v4 =	vor.u32 v1, v4  }
0x21: {  	v2 =	vadd.s32 v3, v2  }
0x22: {  	[tilespmem:s13+$0xFFFFFFD0] =	vst v2  }
0x23: {  	v2 =	vld [tilespmem:s12+$0xFFFFFFE0];
	_ =	sdelay $0x1  }
0x24: {  	v3 =	vld.idx.msk [tilespmem:v4+s3+$0x0], $0xffff  }
0x25: {  	s23 =	sadd.s32 $0x30, s14  }
0x26: {  	v4 =	vor.u32 s23, v0  }
0x27: {  	v4 =	vand.u32 $0x3FB8, v4;
	v2 =	vmul.u32 $0x186A0, v2  }
0x28: {  	v4 =	vor.u32 v1, v4  }
0x29: {  	v2 =	vadd.s32 v3, v2  }
0x2a: {  	[tilespmem:s13+$0xFFFFFFE0] =	vst v2  }
0x2b: {  	v2 =	vld [tilespmem:s12+$0xFFFFFFF0];
	_ =	sdelay $0x1  }
0x2c: {  	v3 =	vld.idx.msk [tilespmem:v4+s3+$0x0], $0xffff  }
0x2d: {  	s24 =	sadd.s32 $0x40, s14  }
0x2e: {  	v4 =	vor.u32 s24, v0  }
0x2f: {  	v4 =	vand.u32 $0x3FC8, v4;
	v2 =	vmul.u32 $0x186A0, v2  }
0x30: {  	v4 =	vor.u32 v1, v4  }
0x31: {  	v2 =	vadd.s32 v3, v2  }
0x32: {  	[tilespmem:s13+$0xFFFFFFF0] =	vst v2  }
0x33: {  	v2 =	vld [tilespmem:s12+$0x0];
	_ =	sdelay $0x1  }
0x34: {  	v3 =	vld.idx.msk [tilespmem:v4+s3+$0x0], $0xffff  }
0x35: {  	s25 =	sadd.s32 $0x50, s14  }
0x36: {  	v4 =	vor.u32 s25, v0  }
0x37: {  	v4 =	vand.u32 $0x3FD8, v4;
	v2 =	vmul.u32 $0x186A0, v2  }
0x38: {  	v4 =	vor.u32 v1, v4  }
0x39: {  	v2 =	vadd.s32 v3, v2  }
0x3a: {  	[tilespmem:s13+$0x0] =	vst v2  }
0x3b: {  	v2 =	vld [tilespmem:s12+$0x10];
	_ =	sdelay $0x1  }
0x3c: {  	v3 =	vld.idx.msk [tilespmem:v4+s3+$0x0], $0xffff  }
0x3d: {  	s26 =	sadd.s32 $0x60, s14  }
0x3e: {  	v4 =	vor.u32 s26, v0  }
0x3f: {  	v4 =	vand.u32 $0x3FE8, v4;
	v2 =	vmul.u32 $0x186A0, v2  }
0x40: {  	v4 =	vor.u32 v1, v4  }
0x41: {  	v2 =	vadd.s32 v3, v2  }
0x42: {  	[tilespmem:s13+$0x10] =	vst v2  }
0x43: {  	v2 =	vld [tilespmem:s12+$0x20];
	_ =	sdelay $0x1  }
0x44: {  	v3 =	vld.idx.msk [tilespmem:v4+s3+$0x0], $0xffff  }
0x45: {  	s14 =	sadd.s32 $0x70, s14  }
0x46: {  	v4 =	vor.u32 s14, v0  }
0x47: {  	v4 =	vand.u32 $0x3FF8, v4;
	v2 =	vmul.u32 $0x186A0, v2  }
0x48: {  	v4 =	vor.u32 v1, v4  }
0x49: {  	v2 =	vadd.s32 v3, v2  }
0x4a: {  	[tilespmem:s13+$0x20] =	vst v2  }
0x4b: {  	v2 =	vld [tilespmem:s12+$0x30];
	_ =	sdelay $0x1  }
0x4c: {  	s28 =	sadd.s32 $0x80, s7;
	v7 =	vld.idx.msk [tilespmem:v4+s3+$0x0], $0xffff  }
0x4d: {  	s29 =	sadd.s32 $0x10, s28;
	s16 =	sadd.s32 $0x20, s28;
	v3 =	vor.u32 s28, v0  }
0x4e: {  	v8 =	vor.u32 s16, v0;
	v3 =	vand.u32 $0x3F88, v3;
	v4 =	vor.u32 s29, v0  }
0x4f: {  	s30 =	sadd.s32 $0x30, s28;
	s31 =	sadd.s32 $0x40, s28;
	v6 =	vor.u32 v1, v3;
	v5 =	vand.u32 $0x3F98, v4;
	v9 =	vmul.u32 $0x186A0, v2  }
0x50: {  	s18 =	simm.s32 $0x100;
	v4 =	vand.u32 $0x3FA8, v8;
	v8 =	vor.u32 s31, v0;
	v2 =	vor.u32 s30, v0  }
0x51: {  	s17 =	sadd.s32 $0x50, s28;
	s16 =	sadd.s32 $0x60, s28;
	s15 =	sadd.s32 $0x70, s28;
	v3 =	vand.u32 $0x3FB8, v2;
	v2 =	vand.u32 $0x3FC8, v8;
	v7 =	vadd.s32 v7, v9  }
.LBB2_2:
0x52: {  	[tilespmem:s13+$0x30] =	vst v7;
	s13 =	sadd.s32 $0x80, s13  }
0x53: {  	v8 =	vor.u32 s17, v0;
	v9 =	vor.u32 s16, v0;
	v10 =	vor.u32 s15, v0;
	s12 =	sadd.s32 $0x80, s12;
	s15 =	smov.u32 s18;
	s14 =	sadd.s32 $0x80, s18  }
0x54: {  	p0 =	sne.s32 s18, $0x2780;
	v7 =	vld [tilespmem:s12+$0xFFFFFFC0];
	v8 =	vand.u32 $0x3FD8, v8;
	v9 =	vand.u32 $0x3FE8, v9;
	v10 =	vand.u32 $0x3FF8, v10  }
0x55: {  	v6 =	vld.idx.msk [tilespmem:v6+s3+$0x0], $0xffff;
	_ =	sdelay $0x3  }
0x56: {  	v5 =	vor.u32 v1, v5;
	v7 =	vmul.u32 $0x186A0, v7;
	_ =	sdelay $0x1  }
0x57: {  	v6 =	vadd.s32 v6, v7  }
0x58: {  	[tilespmem:s13+$0xFFFFFFC0] =	vst v6  }
0x59: {  	v6 =	vld [tilespmem:s12+$0xFFFFFFD0]  }
0x5a: {  	v5 =	vld.idx.msk [tilespmem:v5+s3+$0x0], $0xffff;
	_ =	sdelay $0x3  }
0x5b: {  	v4 =	vor.u32 v1, v4;
	v6 =	vmul.u32 $0x186A0, v6;
	_ =	sdelay $0x1  }
0x5c: {  	v5 =	vadd.s32 v5, v6  }
0x5d: {  	[tilespmem:s13+$0xFFFFFFD0] =	vst v5  }
0x5e: {  	v5 =	vld [tilespmem:s12+$0xFFFFFFE0]  }
0x5f: {  	v4 =	vld.idx.msk [tilespmem:v4+s3+$0x0], $0xffff;
	_ =	sdelay $0x3  }
0x60: {  	v3 =	vor.u32 v1, v3;
	v5 =	vmul.u32 $0x186A0, v5;
	_ =	sdelay $0x1  }
0x61: {  	v4 =	vadd.s32 v4, v5  }
0x62: {  	[tilespmem:s13+$0xFFFFFFE0] =	vst v4  }
0x63: {  	v4 =	vld [tilespmem:s12+$0xFFFFFFF0]  }
0x64: {  	v3 =	vld.idx.msk [tilespmem:v3+s3+$0x0], $0xffff;
	_ =	sdelay $0x3  }
0x65: {  	v2 =	vor.u32 v1, v2;
	v4 =	vmul.u32 $0x186A0, v4;
	_ =	sdelay $0x1  }
0x66: {  	v3 =	vadd.s32 v3, v4  }
0x67: {  	[tilespmem:s13+$0xFFFFFFF0] =	vst v3  }
0x68: {  	v3 =	vld [tilespmem:s12+$0x0]  }
0x69: {  	v2 =	vld.idx.msk [tilespmem:v2+s3+$0x0], $0xffff;
	_ =	sdelay $0x3  }
0x6a: {  	v4 =	vor.u32 v1, v8;
	v3 =	vmul.u32 $0x186A0, v3;
	_ =	sdelay $0x1  }
0x6b: {  	v2 =	vadd.s32 v2, v3  }
0x6c: {  	[tilespmem:s13+$0x0] =	vst v2  }
0x6d: {  	v2 =	vld [tilespmem:s12+$0x10]  }
0x6e: {  	v3 =	vld.idx.msk [tilespmem:v4+s3+$0x0], $0xffff;
	_ =	sdelay $0x3  }
0x6f: {  	v4 =	vor.u32 v1, v9;
	v2 =	vmul.u32 $0x186A0, v2;
	_ =	sdelay $0x1  }
0x70: {  	v2 =	vadd.s32 v3, v2  }
0x71: {  	[tilespmem:s13+$0x10] =	vst v2  }
0x72: {  	v2 =	vld [tilespmem:s12+$0x20]  }
0x73: {  	v3 =	vld.idx.msk [tilespmem:v4+s3+$0x0], $0xffff;
	_ =	sdelay $0x3  }
0x74: {  	v4 =	vor.u32 v1, v10;
	v2 =	vmul.u32 $0x186A0, v2;
	_ =	sdelay $0x1  }
0x75: {  	v2 =	vadd.s32 v3, v2  }
0x76: {  	[tilespmem:s13+$0x20] =	vst v2  }
0x77: {  	v2 =	vld [tilespmem:s12+$0x30]  }
0x78: {  	v7 =	vld.idx.msk [tilespmem:v4+s3+$0x0], $0xffff  }
0x79: {  	s15 =	sadd.s32 s15, s7  }
.Ltmp0:
0x7a: {  	s16 =	sadd.s32 $0x10, s15;
	s17 =	sadd.s32 $0x20, s15;
	v3 =	vor.u32 s15, v0;
	(pc) =	sbr.rel @p0 .LBB2_2-.Ltmp0, $4  }
0x7b: {  	s18 =	sadd.s32 $0x30, s15;
	s19 =	sadd.s32 $0x40, s15;
	v8 =	vor.u32 s17, v0;
	s17 =	sadd.s32 $0x50, s15;
	v3 =	vand.u32 $0x3F88, v3;
	v4 =	vor.u32 s16, v0  }
0x7c: {  	v6 =	vor.u32 v1, v3;
	s16 =	sadd.s32 $0x60, s15;
	s15 =	sadd.s32 $0x70, s15;
	v5 =	vand.u32 $0x3F98, v4;
	v9 =	vmul.u32 $0x186A0, v2  }
0x7d: {  	v4 =	vand.u32 $0x3FA8, v8;
	v8 =	vor.u32 s19, v0;
	v2 =	vor.u32 s18, v0  }
0x7e: {  	s18 =	smov.u32 s14;
	v3 =	vand.u32 $0x3FB8, v2;
	v2 =	vand.u32 $0x3FC8, v8;
	v7 =	vadd.s32 v7, v9  }
0x7f: {  	_ = 	snop  }
0x80: {  	[tilespmem:s13+$0x30] =	vst v7;
	s12 =	sadd.s32 $0x80, s12  }
0x81: {  	v7 =	vld [tilespmem:s12+$0xFFFFFFC0];
	_ =	sdelay $0x1  }
0x82: {  	v6 =	vld.idx.msk [tilespmem:v6+s3+$0x0], $0xffff;
	_ =	sdelay $0x2  }
0x83: {  	v7 =	vmul.u32 $0x186A0, v7  }
0x84: {  	v5 =	vor.u32 v1, v5  }
0x85: {  	s31 =	sadd.s32 $0x80, s13;
	v6 =	vadd.s32 v6, v7  }
0x86: {  	[tilespmem:s31+$0xFFFFFFC0] =	vst v6  }
0x87: {  	v6 =	vld [tilespmem:s12+$0xFFFFFFD0];
	_ =	sdelay $0x1  }
0x88: {  	v5 =	vld.idx.msk [tilespmem:v5+s3+$0x0], $0xffff;
	_ =	sdelay $0x2  }
0x89: {  	v6 =	vmul.u32 $0x186A0, v6  }
0x8a: {  	v4 =	vor.u32 v1, v4  }
0x8b: {  	v5 =	vadd.s32 v5, v6  }
0x8c: {  	[tilespmem:s31+$0xFFFFFFD0] =	vst v5  }
0x8d: {  	v5 =	vld [tilespmem:s12+$0xFFFFFFE0];
	_ =	sdelay $0x1  }
0x8e: {  	v4 =	vld.idx.msk [tilespmem:v4+s3+$0x0], $0xffff;
	_ =	sdelay $0x2  }
0x8f: {  	v5 =	vmul.u32 $0x186A0, v5  }
0x90: {  	v3 =	vor.u32 v1, v3  }
0x91: {  	v4 =	vadd.s32 v4, v5  }
0x92: {  	[tilespmem:s31+$0xFFFFFFE0] =	vst v4  }
0x93: {  	v4 =	vld [tilespmem:s12+$0xFFFFFFF0];
	_ =	sdelay $0x1  }
0x94: {  	v3 =	vld.idx.msk [tilespmem:v3+s3+$0x0], $0xffff;
	_ =	sdelay $0x2  }
0x95: {  	v4 =	vmul.u32 $0x186A0, v4  }
0x96: {  	v2 =	vor.u32 v1, v2  }
0x97: {  	v3 =	vadd.s32 v3, v4  }
0x98: {  	[tilespmem:s31+$0xFFFFFFF0] =	vst v3  }
0x99: {  	v3 =	vld [tilespmem:s12+$0x0];
	_ =	sdelay $0x1  }
0x9a: {  	v2 =	vld.idx.msk [tilespmem:v2+s3+$0x0], $0xffff;
	_ =	sdelay $0x1  }
0x9b: {  	v61 =	vor.u32 s17, v0  }
0x9c: {  	v4 =	vand.u32 $0x3FD8, v61;
	v3 =	vmul.u32 $0x186A0, v3  }
0x9d: {  	v4 =	vor.u32 v1, v4  }
0x9e: {  	v2 =	vadd.s32 v2, v3  }
0x9f: {  	[tilespmem:s31+$0x0] =	vst v2  }
0xa0: {  	v2 =	vld [tilespmem:s12+$0x10];
	_ =	sdelay $0x1  }
0xa1: {  	v3 =	vld.idx.msk [tilespmem:v4+s3+$0x0], $0xffff;
	_ =	sdelay $0x1  }
0xa2: {  	v62 =	vor.u32 s16, v0  }
0xa3: {  	v4 =	vand.u32 $0x3FE8, v62;
	v2 =	vmul.u32 $0x186A0, v2  }
0xa4: {  	v4 =	vor.u32 v1, v4  }
0xa5: {  	v2 =	vadd.s32 v3, v2  }
0xa6: {  	[tilespmem:s31+$0x10] =	vst v2  }
0xa7: {  	v2 =	vld [tilespmem:s12+$0x20];
	_ =	sdelay $0x1  }
0xa8: {  	v3 =	vld.idx.msk [tilespmem:v4+s3+$0x0], $0xffff;
	_ =	sdelay $0x1  }
0xa9: {  	v63 =	vor.u32 s15, v0  }
0xaa: {  	v4 =	vand.u32 $0x3FF8, v63;
	v2 =	vmul.u32 $0x186A0, v2  }
0xab: {  	v4 =	vor.u32 v1, v4  }
0xac: {  	v2 =	vadd.s32 v3, v2  }
0xad: {  	[tilespmem:s31+$0x20] =	vst v2  }
0xae: {  	v2 =	vld [tilespmem:s12+$0x30];
	_ =	sdelay $0x1  }
0xaf: {  	v3 =	vld.idx.msk [tilespmem:v4+s3+$0x0], $0xffff;
	_ =	sdelay $0x2  }
0xb0: {  	v2 =	vmul.u32 $0x186A0, v2  }
0xb1: {  	s11 =	sadd.s32 $0x1, s11  }
0xb2: {  	p0 =	sne.s32 s11, s6;
	v2 =	vadd.s32 v3, v2  }
.Ltmp1:
0xb3: {  	[tilespmem:s31+$0x30] =	vst v2;
	(pc) =	sbr.rel @p0 .LBB2_1-.Ltmp1, $4  }
0xb4: {  	[hbm4b:s5+s3] =	stream.linear.scatter [tilespmem:s10], [sflag:$0x1], $0x2800, $0x38;
	[tilespmem:$0x9000] =	vst v63  }
0xb5: {  	_ =	swait.ge [sflag:s8], $0x2800  }
0xb6: {  	[sflag:s8] =	ssyncset.done $0x0  }
0xb7: {  	[sflag:s8] =	ssyncadd.s32 $0xFFFFD800  }
0xb8: {  	_ =	sfence.sel $0x180000  }
0xb9: {  	[bflag:$0x0] =	sbarrier.arrive $0xFFFF  }
0xba: {  	p0 =	sne.s32 s0, $0x0;
	_ =	strace $0x90000047  }
0xbb: {  	s0 =	sadd.s32 @!p0 $0x100000, s2;
	[bflag:$0x2] =	sbarrier.arrive $0xFFFF  }
0xbc: {  	[sflag:s0] =	ssyncadd.tile.s32 @!p0 $0x1;
	_ =	shalt  }
.Lfunc_end2:
_tile_overlayer_lowered:
.L_overlay_start_2:
0xbd: {  	(tag) =	ssettag $0x2  }
0xbe: {  	s0 =	rddreg [dreg:$0x0];
	s2 =	stileid.u32  }
0xbf: {  	s1 =	rddreg [dreg:$0x1];
	p0 =	sne.s32 s2, $0x0  }
0xc0: {  	s3 =	rddreg [dreg:$0x2];
	[bflag:$0x3] =	sbarrier.arrive $0xFFFF;
	s2 =	simm.s32 @!p0 $0x1C01  }
0xc1: {  	[timem:s3], [sflag:s2] =	dma.local @!p0 [hbm:s0], s1  }
0xc2: {  	s0 =	simm.s32 @!p0 $0x1  }
0xc3: {  	_ =	swait.ge @!p0 [sflag:s0], s1  }
0xc4: {  	s1 =	ssub.s32 @!p0 $0x0, s1;
	[sflag:s0] =	ssyncset.done @!p0 $0x0  }
0xc5: {  	[sflag:s0] =	ssyncadd.s32 @!p0 s1  }
0xc6: {  	[bflag:$0x3] =	sbarrier.arrive $0xFFFF  }
0xc7: {  	_ =	shalt  }

// kernel: kernel.7.cloned.1.call-start
scs
__scs_entry_jumppad:
0x0: {  	(pc) =	sbr.rel $0x88, $3  }
0x1: {  	(tag) =	ssettag $0x0;
	lr =	simm.s32 $0x1  }
0x2: {  	[smem:$0x3F9E] =	sst lr;
	_ =	strace $0xD0000000  }
0x3: {  	_ = 	snop  }
0x4: {  	_ = 	snop  }
0x5: {  	_ = 	snop  }
0x6: {  	_ = 	snop  }
0x7: {  	_ = 	snop  }
__scs_overlays_trampoline_lowered:
0x8: {  	[smem:$0x3FAD] =	sst s0  }
0x9: {  	[smem:$0x3FAE] =	sst s1  }
0xa: {  	[smem:$0x3FAF] =	sst s2  }
0xb: {  	[smem:$0x3FB0] =	sst s3  }
0xc: {  	[smem:$0x3FB1] =	sst s4  }
0xd: {  	[smem:$0x3FB2] =	sst s5  }
0xe: {  	[smem:$0x3FB3] =	sst s6  }
0xf: {  	[smem:$0x3FB4] =	sst s7  }
0x10: {  	[smem:$0x3FB5] =	sst s8  }
0x11: {  	[smem:$0x3FB6] =	sst s9;
	s0 =	simm.s32 @!p0 $0x0  }
0x12: {  	s1 =	sld [smem:$0x3F9C];
	s0 =	simm.s32 @p0 $0x1  }
0x13: {  	[smem:$0x3FB7] =	sst s0;
	s0 =	simm.s32 @!p1 $0x0  }
0x14: {  	s2 =	sld [smem:$0x3F9B];
	s0 =	simm.s32 @p1 $0x1  }
0x15: {  	[smem:$0x3FB8] =	sst s0;
	s0 =	simm.s32 @!p2 $0x0  }
0x16: {  	s3 =	sld [smem:$0x3FDB];
	s0 =	simm.s32 @p2 $0x1  }
0x17: {  	s4 =	simm.s32 $0x1BF5;
	[smem:$0x3FBA] =	sst s0  }
0x18: {  	s0 =	sld [smem:$0x3F9D];
	_ =	swait.ge [sflag:s4], $0x0  }
0x19: {  	s7 =	sld [smem:$0x3F9E]  }
0x1a: {  	s8 =	sadd.s32 $0xFFFFE003, lr  }
0x1b: {  	s9 =	sadd.s32 $0xFFFFFEF7, lr;
	s5 =	simm.s32 $0xFFFFFFFF;
	p2 =	slt.u32 s8, $0xFFFFF086  }
0x1c: {  	p1 =	slt.u32 s9, $0xF7A;
	s5 =	simm.s32 @!p2 $0x0  }
0x1d: {  	s5 =	simm.s32 @p1 $0x1;
	p0 =	seq.s32 s7, s2  }
0x1e: {  	s7 =	smul.u32 @!p0 $0xF7A, s2;
	p2 =	seq.s32 @!p0 s5, $0x0  }
0x1f: {  	s9 =	smul.u32 $0xF7A, s1;
	s8 =	simm.s32 @!p0 $0x1BF5;
	p2 =	por !p2, p0  }
0x20: {  	[sflag:s8] =	ssyncset.s32 @!p0 $0xFFFFF086;
	s6 =	sadd.s32 @!p0 s3, s7;
	s7 =	simm.s32 @!p0 $0x108  }
0x21: {  	s3 =	sadd.s32 s3, s9;
	s6 =	sadd.s32 @!p0 $0x88, s6;
	s7 =	simm.s32 @p2 $0x1082  }
0x22: {  	[simem:s7], [sflag:s8] =	dma.local @!p0 [hbm:s6], $0xF7A  }
0x23: {  	s9 =	sor.u32 $0xD0000000, s2;
	s6 =	simm.s32 $0x108;
	_ =	swait.ge @!p0 [sflag:s8], $0x0  }
0x24: {  	s3 =	sadd.s32 $0x88, s3;
	s6 =	simm.s32 @!p1 $0x1082;
	[sflag:s4] =	ssyncset.s32 $0xFFFFF086  }
0x25: {  	[simem:s6], [sflag:s4] =	dma.local [hbm:s3], $0xF7A  }
0x26: {  	[smem:$0x3F9E] =	sst s1;
	(tag) =	ssettag s2;
	_ =	strace s9  }
0x27: {  	s1 =	sld [smem:$0x3FAE]  }
0x28: {  	s2 =	sld [smem:$0x3FAF]  }
0x29: {  	s4 =	sld [smem:$0x3FB1]  }
0x2a: {  	p0 =	seq.s32 s5, $0x0;
	s5 =	sld [smem:$0x3FB2]  }
0x2b: {  	s6 =	sld [smem:$0x3FB3]  }
0x2c: {  	s7 =	sld [smem:$0x3FB4]  }
0x2d: {  	s3 =	simm.s32 $0x108;
	s8 =	sld [smem:$0x3FB5]  }
0x2e: {  	s3 =	simm.s32 @!p0 $0x1082;
	s9 =	sld [smem:$0x3FB6]  }
0x2f: {  	lr =	sadd.s32 s0, s3;
	s0 =	sld [smem:$0x3FAD]  }
0x30: {  	s3 =	sld [smem:$0x3FB0]  }
0x31: {  	[smem:$0x3FB9] =	sst s10  }
0x32: {  	s10 =	sld [smem:$0x3FB7];
	_ =	sdelay $0x3  }
0x33: {  	p0 =	seq.s32 s10, $0x1;
	s10 =	sld [smem:$0x3FB9];
	_ =	sdelay $0x3  }
0x34: {  	[smem:$0x3FB9] =	sst s10  }
0x35: {  	s10 =	sld [smem:$0x3FB8];
	_ =	sdelay $0x3  }
0x36: {  	p1 =	seq.s32 s10, $0x1;
	s10 =	sld [smem:$0x3FB9];
	_ =	sdelay $0x3  }
0x37: {  	[smem:$0x3FB9] =	sst s10  }
0x38: {  	s10 =	sld [smem:$0x3FBA]  }
0x39: {  	_ = 	snop;
	(pc) =	sbr.ind lr, $3  }
0x3a: {  	_ = 	snop  }
0x3b: {  	_ = 	snop  }
0x3c: {  	p2 =	seq.s32 s10, $0x1;
	s10 =	sld [smem:$0x3FB9]  }
0x3d: {  	_ =	shalt  }
0x3e: {  	_ =	shalt  }
0x3f: {  	_ =	shalt  }
0x40: {  	_ =	shalt  }
0x41: {  	_ =	shalt  }
0x42: {  	_ =	shalt  }
0x43: {  	_ =	shalt  }
0x44: {  	_ =	shalt  }
0x45: {  	_ =	shalt  }
0x46: {  	_ =	shalt  }
0x47: {  	_ =	shalt  }
0x48: {  	_ =	shalt  }
0x49: {  	_ =	shalt  }
0x4a: {  	_ =	shalt  }
0x4b: {  	_ =	shalt  }
0x4c: {  	_ =	shalt  }
0x4d: {  	_ =	shalt  }
0x4e: {  	_ =	shalt  }
0x4f: {  	_ =	shalt  }
0x50: {  	_ =	shalt  }
0x51: {  	_ =	shalt  }
0x52: {  	_ =	shalt  }
0x53: {  	_ =	shalt  }
0x54: {  	_ =	shalt  }
0x55: {  	_ =	shalt  }
0x56: {  	_ =	shalt  }
0x57: {  	_ =	shalt  }
0x58: {  	_ =	shalt  }
0x59: {  	_ =	shalt  }
0x5a: {  	_ =	shalt  }
0x5b: {  	_ =	shalt  }
0x5c: {  	_ =	shalt  }
0x5d: {  	_ =	shalt  }
0x5e: {  	_ =	shalt  }
0x5f: {  	_ =	shalt  }
0x60: {  	_ =	shalt  }
0x61: {  	_ =	shalt  }
0x62: {  	_ =	shalt  }
0x63: {  	_ =	shalt  }
0x64: {  	_ =	shalt  }
0x65: {  	_ =	shalt  }
0x66: {  	_ =	shalt  }
0x67: {  	_ =	shalt  }
0x68: {  	_ =	shalt  }
0x69: {  	_ =	shalt  }
0x6a: {  	_ =	shalt  }
0x6b: {  	_ =	shalt  }
0x6c: {  	_ =	shalt  }
0x6d: {  	_ =	shalt  }
0x6e: {  	_ =	shalt  }
0x6f: {  	_ =	shalt  }
0x70: {  	_ =	shalt  }
0x71: {  	_ =	shalt  }
0x72: {  	_ =	shalt  }
0x73: {  	_ =	shalt  }
0x74: {  	_ =	shalt  }
0x75: {  	_ =	shalt  }
0x76: {  	_ =	shalt  }
0x77: {  	_ =	shalt  }
0x78: {  	_ =	shalt  }
0x79: {  	_ =	shalt  }
0x7a: {  	_ =	shalt  }
0x7b: {  	_ =	shalt  }
0x7c: {  	_ =	shalt  }
0x7d: {  	_ =	shalt  }
0x7e: {  	_ =	shalt  }
0x7f: {  	_ =	shalt  }
0x80: {  	_ =	shalt  }
0x81: {  	_ =	shalt  }
0x82: {  	_ =	shalt  }
0x83: {  	_ =	shalt  }
0x84: {  	_ =	shalt  }
0x85: {  	_ =	shalt  }
0x86: {  	_ =	shalt  }
0x87: {  	_ =	shalt  }
.Lfunc_end0:
.L_simem_size_0:
called_computation.1_lowered:
.L_overlay_start_0:
0x88: {  	s2 =	sld [smem:$0x3FD9]  }
0x89: {  	s3 =	sld [smem:$0x3FFE];
	_ =	sdelay $0x1  }
0x8a: {  	s1 =	srdreg.scid  }
0x8b: {  	s0 =	sand.u32 $0x1, s1  }
0x8c: {  	s14 =	sshll.u32 s0, $0xA;
	s2 =	sadd.s32 s3, s2  }
0x8d: {  	s2 =	sadd.s32 s2, s14  }
0x8e: {  	[smem:$0x3FC5] =	sst s2  }
0x8f: {  	_ = 	snop  }
0x90: {  	s2 =	sld [smem:$0x3FD0];
	_ =	sdelay $0x2  }
0x91: {  	s15 =	simm.s32 $0xA;
	s4 =	simm.s32 $0x10  }
0x92: {  	[smem:s4], [sflag:s15] =	dma.local [hbm:s2], $0x1  }
0x93: {  	_ =	swait.eq [sflag:s15], $0x1  }
0x94: {  	[sflag:s15] =	ssyncset.done $0x0  }
0x95: {  	s16 =	sld [smem:$0x10];
	[sflag:s15] =	ssyncadd.s32 $0xFFFFFFFF  }
0x96: {  	s17 =	sld [smem:$0x11];
	(tm) =	ssettm $0x1  }
0x97: {  	s18 =	sld [smem:$0x3FFB];
	_ =	sdelay $0x3  }
0x98: {  	_ =	strace s18  }
0x99: {  	s4 =	sld [smem:$0x3FFC];
	_ =	sdelay $0x3  }
0x9a: {  	_ =	strace s4  }
0x9b: {  	s4 =	sld [smem:$0x3FFD];
	_ =	sdelay $0x3  }
0x9c: {  	_ =	strace s4  }
0x9d: {  	_ =	strace $0x8FFFFFFF  }
0x9e: {  	s19 =	sld [smem:$0x3FDB];
	_ =	sdelay $0x1  }
0x9f: {  	s5 =	simm.s32 $_scs_section_size  }
0xa0: {  	s6 =	simm.s32 $_size__tile_overlayer_lowered;
	s7 =	simm.s32 $_tile_overlayer_lowered  }
0xa1: {  	s22 =	simm.s32 $0x1BFF;
	s21 =	sshll.u32 s7, $0x1;
	s4 =	sadd.s32 s5, s19  }
0xa2: {  	s8 =	simm.s32 $0x0;
	s20 =	sshll.u32 s6, $0x1;
	s6 =	sadd.s32 s21, s4  }
0xa3: {  	[timem:s8], [sflag:s22] =	dma.local [hbm:s6], s20  }
0xa4: {  	_ =	swait.ge [sflag:s22], s20  }
0xa5: {  	s5 =	ssub.s32 $0x0, s20;
	[sflag:s22] =	ssyncset.done $0x0  }
0xa6: {  	[sflag:s22] =	ssyncadd.s32 s5;
	_ =	sdelay $0x1  }
0xa7: {  	s23 =	simm.s32 $0x1B8B  }
0xa8: {  	_ =	swait.ge [sflag:s23], $0x1  }
0xa9: {  	[sflag:s23] =	ssyncset.done $0x0  }
0xaa: {  	s25 =	simm.s32 $0x1B8E;
	s24 =	sld [smem:$0x3FFE];
	[sflag:s23] =	ssyncadd.s32 $0xFFFFFFFF  }
0xab: {  	s26 =	simm.s32 $execute0_lowered;
	[smem:$0x3FD2] =	sst s25  }
0xac: {  	s6 =	sshll.u32 s26, $0x1;
	_ =	strace $0x80000049;
	[dreg:$0x1] =	wrdreg $0xFFFFFFFF  }
0xad: {  	s28 =	simm.s32 $_size_execute0_lowered;
	s4 =	sadd.s32 s4, s6;
	[dreg:$0x0] =	wrdreg $0x0  }
0xae: {  	s6 =	sshll.u32 s28, $0x1;
	[dreg:$0x2] =	wrdreg s4  }
0xaf: {  	[dreg:$0x3] =	wrdreg s6  }
0xb0: {  	[dreg:$0x4] =	wrdreg $0xC0  }
0xb1: {  	_ =	task [dreg:s8], $0x5FFFF  }
0xb2: {  	[dreg:$0x1] =	wrdreg $0xFFFFFFFF  }
0xb3: {  	[dreg:$0x0] =	wrdreg $0x60  }
0xb4: {  	[dreg:$0x2] =	wrdreg s24  }
0xb5: {  	[dreg:$0x3] =	wrdreg s16  }
0xb6: {  	[dreg:$0x4] =	wrdreg s17  }
0xb7: {  	[dreg:$0x5] =	wrdreg $0x9  }
0xb8: {  	_ =	task.clear_ibuf [dreg:s8], $0x6FFFF;
	_ =	strace $0x90000049  }
0xb9: {  	s29 =	simm.s32 $0x9;
	_ =	strace $0x8000004B  }
0xba: {  	_ =	swait.ge [sflag:s29], $0x1  }
0xbb: {  	[sflag:s29] =	ssyncadd.s32 $0xFFFFFFFF  }
0xbc: {  	_ =	strace $0x9000004B  }
0xbd: {  	_ =	sfence  }
0xbe: {  	s30 =	sld [smem:$0x0];
	_ =	sdelay $0x2  }
0xbf: {  	s31 =	sshll.u32 s1, $0xD;
	s1 =	sshrl.u32 s1, $0x2  }
0xc0: {  	s3 =	sand.u32 $0x4000, s31;
	s1 =	sadd.s32 s1, s30  }
0xc1: {  	s0 =	sor.u32 s3, s0;
	s1 =	sshll.u32 s1, $0x11  }
0xc2: {  	s0 =	sor.u32 s1, s0  }
0xc3: {  	s0 =	sadd.s32 $0x8F2B, s0  }
0xc4: {  	[sflag:s0] =	ssyncadd.remote.s32 $0x1  }
0xc5: {  	_ =	sfence.sel $0xFFFF  }
0xc6: {  	[dreg:$0x0] =	wrdreg $0xFFFFFFFF;
	(pc) =	sbr.abs _section_cstart, $3  }
0xc7: {  	[dreg:$0x1] =	wrdreg $0xFFFFFFFF  }
0xc8: {  	_ =	task.clear_ibuf [dreg:s8], $0x2FFFF;
	_ =	strace $0x9FFFFFFF  }
0xc9: {  	(tm) =	ssettm $0x7FFFFFFF  }
tec
execute0_lowered:
.L_overlay_start_1:
0x0: {  	(tag) =	ssettag $0x1  }
0x1: {  	s3 =	rddreg [dreg:$0x0]  }
0x2: {  	s4 =	rddreg [dreg:$0x1]  }
0x3: {  	s1 =	srdreg.scid;
	s0 =	stileid.u32  }
0x4: {  	s5 =	rddreg [dreg:$0x2];
	s2 =	simm.s32 $0x0;
	s9 =	simm.s32 $0x1  }
0x5: {  	s10 =	simm.s32 $0x2800;
	s6 =	sand.u32 $0x1, s1;
	s7 =	sshll.u32 s0, $0x1  }
0x6: {  	s11 =	simm.s32 $0x0;
	s1 =	rddreg [dreg:$0x3];
	s7 =	sor.u32 s6, s7  }
0x7: {  	[smem:$0x7FF] =	sst s2;
	s6 =	ssub.s32 $0x2, s6;
	s7 =	smul.u32 $0x500, s7  }
0x8: {  	s3 =	sadd.s32 $0x800, s3;
	_ =	strace $0x8000004A;
	s8 =	sshrl.u32 s6, $0x1  }
0x9: {  	s6 =	ssub.s32 s6, s8;
	s8 =	simm.s32 $0x80;
	s4 =	sadd.s32 s4, s7  }
0xa: {  	s5 =	sadd.s32 s5, s7;
	s6 =	smax.u32 s6, $0x1;
	s7 =	simm.s32 $0x2  }
.LBB2_1:
0xb: {  	[tilespmem:s2], [sflag:$0x2] =	stream.linear.gather [hbm4b:s4+s2], $0x2800, $0x38;
	[tilespmem:$0x5000] =	vst v63  }
0xc: {  	_ =	swait.ge [sflag:s7], $0x2800  }
0xd: {  	s12 =	simm.s32 $0x200;
	[sflag:s7] =	ssyncset.done $0x0  }
0xe: {  	s13 =	simm.s32 $0x0;
	s14 =	simm.s32 $0x2800;
	[sflag:s7] =	ssyncadd.s32 $0xFFFFD800  }
.LBB2_2:
0xf: {  	[tilespmem:s14], [sflag:$0x1] =	stream.indirect.gather [hbm4b:s3+s8], $0x1, s13, s8, $0xb8;
	[tilespmem:$0x5000] =	vst v63  }
0x10: {  	s13 =	smov.u32 s12;
	p0 =	sne.s32 s12, $0x9E00  }
.Ltmp0:
0x11: {  	s12 =	sadd.s32 $0x200, s12;
	(pc) =	sbr.rel @p0 .LBB2_2-.Ltmp0, $3  }
0x12: {  	_ =	sdelay $0x1  }
0x13: {  	s13 =	sshra.s32 s13, $0x2  }
0x14: {  	s14 =	sadd.s32 $0x2800, s13  }
0x15: {  	[tilespmem:s14], [sflag:$0x1] =	stream.indirect.gather [hbm4b:s3+s8], $0x1, s13, s8, $0xb8;
	[tilespmem:$0x5000] =	vst v63  }
0x16: {  	s11 =	sadd.s32 $0x1, s11;
	_ =	swait.ge [sflag:s9], $0x2800  }
0x17: {  	p0 =	sne.s32 s11, s6;
	[sflag:s9] =	ssyncset.done $0x0  }
.Ltmp1:
0x18: {  	[sflag:s9] =	ssyncadd.s32 $0xFFFFD800;
	(pc) =	sbr.rel @p0 .LBB2_1-.Ltmp1, $4  }
0x19: {  	[hbm4b:s5+s2] =	stream.linear.scatter [tilespmem:s10], [sflag:$0x2], $0x2800, $0x38;
	[tilespmem:$0x5000] =	vst v63  }
0x1a: {  	_ =	swait.ge [sflag:s7], $0x2800  }
0x1b: {  	[sflag:s7] =	ssyncset.done $0x0  }
0x1c: {  	[sflag:s7] =	ssyncadd.s32 $0xFFFFD800  }
0x1d: {  	_ =	sfence.sel $0x180000  }
0x1e: {  	[bflag:$0x0] =	sbarrier.arrive $0xFFFF  }
0x1f: {  	p0 =	sne.s32 s0, $0x0;
	_ =	strace $0x9000004A  }
0x20: {  	s0 =	sadd.s32 @!p0 $0x100000, s1;
	[bflag:$0x2] =	sbarrier.arrive $0xFFFF  }
0x21: {  	[sflag:s0] =	ssyncadd.tile.s32 @!p0 $0x1;
	_ =	shalt  }
.Lfunc_end2:
_tile_overlayer_lowered:
.L_overlay_start_2:
0x22: {  	(tag) =	ssettag $0x2  }
0x23: {  	s0 =	rddreg [dreg:$0x0];
	s2 =	stileid.u32  }
0x24: {  	s1 =	rddreg [dreg:$0x1];
	p0 =	sne.s32 s2, $0x0  }
0x25: {  	s3 =	rddreg [dreg:$0x2];
	[bflag:$0x3] =	sbarrier.arrive $0xFFFF;
	s2 =	simm.s32 @!p0 $0x1C02  }
0x26: {  	[timem:s3], [sflag:s2] =	dma.local @!p0 [hbm:s0], s1  }
0x27: {  	s0 =	simm.s32 @!p0 $0x2  }
0x28: {  	_ =	swait.ge @!p0 [sflag:s0], s1  }
0x29: {  	s1 =	ssub.s32 @!p0 $0x0, s1;
	[sflag:s0] =	ssyncset.done @!p0 $0x0  }
0x2a: {  	[sflag:s0] =	ssyncadd.s32 @!p0 s1  }
0x2b: {  	[bflag:$0x3] =	sbarrier.arrive $0xFFFF  }
0x2c: {  	_ =	shalt  }

</sc_bundles>
